<compile_context>
chip_gen: v7x
topology: tpu7x:2x2x1
jax: 0.10.2.dev20260603
libtpu: 0.0.44.dev20260713+nightly
codegen_flags: <defaults>
</compile_context>

<pallas_src>
import functools

import jax
import jax.numpy as jnp
from jax import lax
from jax.experimental import pallas as pl
from jax.experimental.pallas import tpu as pltpu
from jax.experimental.pallas import tpu_sc as plsc

_QB = 512
_PAD = 16
_W = 128


def _th_kernel(q_ref, kt_ref, k16_ref, out_ref):
    d = pl.program_id(0)
    sign = (1 - 2 * (d % 2)).astype(jnp.float32)
    kt = kt_ref[0, 0]
    kx, ky, kz = kt[0:1, :], kt[1:2, :], kt[2:3, :]
    kk = kx * kx + ky * ky + kz * kz
    ktd_bf = (kt + kt).astype(jnp.bfloat16)
    k16_bf = k16_ref[0, 0].astype(jnp.bfloat16)
    h = _QB // 2
    for j in range(2):
        q = q_ref[0, 0][j * h:(j + 1) * h]
        qk2 = jnp.dot(q.astype(jnp.bfloat16), ktd_bf,
                      preferred_element_type=jnp.float32)
        score = kk - qk2
        m = jnp.min(score, axis=1, keepdims=True)
        oh = (score == m).astype(jnp.bfloat16)
        g = jnp.dot(oh, k16_bf, preferred_element_type=jnp.float32)
        g = g * (1.0 / g[:, _PAD - 1:_PAD])
        th = sign * (g - q)
        out_ref[0, 0, j * h:(j + 1) * h] = jnp.concatenate(
            [th, jnp.zeros((h, _W - _PAD), jnp.float32)], axis=1)


def _reduce_kernel(blk_ref, lg_ref, out_ref, *, nbatch, scale):
    p, s, b = (pl.program_id(k) for k in range(3))

    @pl.when((p == 0) & (s == 0) & (b == 0))
    def _init():
        out_ref[:, :] = jnp.zeros((1, 1), jnp.float32)

    diff = blk_ref[0, 0] - lg_ref[0, 0, 0]
    out_ref[:, :] += jnp.sum(diff * diff)[None, None]

    @pl.when((p == 1) & (s == 1) & (b == nbatch - 1))
    def _fin():
        out_ref[:, :] = out_ref[:, :] * scale


def _sc_gather(table, gidx):
    rows, width = table.shape
    (nidx,) = gidx.shape
    info = plsc.get_sparse_core_info()
    nw = info.num_cores * info.num_subcores
    b_per_w = nidx // nw
    chunk = 256
    mesh = plsc.VectorSubcoreMesh(core_axis_name="c", subcore_axis_name="s")

    @functools.partial(
        pl.kernel, mesh=mesh,
        out_type=jax.ShapeDtypeStruct((nidx, width), jnp.float32),
        scratch_types=[
            pltpu.VMEM((chunk,), jnp.int32),
            pltpu.VMEM((chunk, width), jnp.float32),
            pltpu.SemaphoreType.DMA,
        ],
    )
    def k(table_hbm, idx_hbm, out_hbm, idx_v, rows_v, sem):
        wid = lax.axis_index("s") * info.num_cores + lax.axis_index("c")
        base = wid * b_per_w

        @pl.loop(0, b_per_w // chunk)
        def _(c):
            off = base + c * chunk
            pltpu.sync_copy(idx_hbm.at[pl.ds(off, chunk)], idx_v)
            pltpu.async_copy(table_hbm.at[idx_v], rows_v, sem).wait()
            pltpu.sync_copy(rows_v, out_hbm.at[pl.ds(off, chunk)])

    return k(table, gidx)


def kernel(yp_white_pts, yp_pial_pts, yt_white_pts, yt_pial_pts,
           yp_white_idx, yt_white_idx, yp_pial_idx, yt_pial_idx):
    B, N, _ = yp_white_pts.shape
    nb = N // _QB

    P = jnp.stack([yp_white_pts, yp_pial_pts, yt_white_pts, yt_pial_pts])
    ones = jnp.ones(P.shape[:-1] + (1,), jnp.float32)
    P16 = jnp.concatenate(
        [P, jnp.zeros(P.shape[:-1] + (_PAD - 4,), jnp.float32), ones],
        axis=-1)
    PT = jnp.swapaxes(P16, 2, 3)

    sw = lambda d: (d // 2) * 2 + (1 - d % 2)

    th16 = pl.pallas_call(
        _th_kernel,
        grid=(4, B, nb),
        in_specs=[
            pl.BlockSpec((1, 1, _QB, _PAD), lambda d, b, i: (d, b, i, 0)),
            pl.BlockSpec((1, 1, _PAD, N), lambda d, b, i: (sw(d), b, 0, 0)),
            pl.BlockSpec((1, 1, N, _PAD), lambda d, b, i: (sw(d), b, 0, 0)),
        ],
        out_specs=pl.BlockSpec((1, 1, _QB, _W), lambda d, b, i: (d, b, i, 0)),
        out_shape=jax.ShapeDtypeStruct((4, B, N, _W), jnp.float32),
    )(P16, PT, P16)

    I = jnp.stack([yp_white_idx, yp_pial_idx, yt_white_idx, yt_pial_idx])
    I = I.astype(jnp.int32)
    parts = []
    for p in range(2):
        for s in range(2):
            f = p + 2 * (1 - s)
            for b in range(B):
                parts.append((f * B + b) * N + I[p + 2 * s, b])
    gidx = jnp.concatenate(parts)

    lg = _sc_gather(th16.reshape(4 * B * N, _W), gidx)

    lg = lg.reshape(2, 2, B, N, _W)
    loss = pl.pallas_call(
        functools.partial(_reduce_kernel, nbatch=B, scale=0.25 / (B * N)),
        grid=(2, 2, B),
        in_specs=[
            pl.BlockSpec((1, 1, N, _W),
                         lambda p, s, b: (p + 2 * s, b, 0, 0)),
            pl.BlockSpec((1, 1, 1, N, _W),
                         lambda p, s, b: (p, s, b, 0, 0)),
        ],
        out_specs=pl.BlockSpec((1, 1), lambda p, s, b: (0, 0)),
        out_shape=jax.ShapeDtypeStruct((1, 1), jnp.float32),
    )(th16, lg)

    return loss.reshape(())

# --- scband reference (transcript-rebuilt; emitter-appended) ---
"""Pipeline reference for scband-symmetric-thickness-loss-31516470018694 (READ-ONLY COPY).

The authoritative reference and input builder live on the scoring server;
editing this copy changes nothing except your own understanding.
"""

import jax, jax.numpy as jnp
import numpy as np


def _nn_index(query, keys):
    # brute-force 1-nearest-neighbor: for each query point, index of nearest key point
    qq = jnp.sum(query * query, axis=-1)            # [B, N]
    kk = jnp.sum(keys * keys, axis=-1)              # [B, M]
    d2 = qq[:, :, None] - 2.0 * jnp.einsum('bnd,bmd->bnm', query, keys) + kk[:, None, :]
    return jnp.argmin(d2, axis=-1)                  # [B, N]


def _thickness_vectors(inner_pts, outer_pts):
    B = inner_pts.shape[0]
    bix = jnp.arange(B)[:, None]
    idx_in = _nn_index(inner_pts, outer_pts)        # nearest outer point for each inner point
    inner_th = outer_pts[bix, idx_in] - inner_pts
    idx_out = _nn_index(outer_pts, inner_pts)       # nearest inner point for each outer point
    outer_th = outer_pts - inner_pts[bix, idx_out]
    return inner_th, outer_th


def _msn(a, b):
    # MeanSquaredNormLoss with w=None, dim=-1
    return jnp.mean(jnp.sum((a - b) ** 2, axis=-1))


def _sym_msn(y_pred, y_true, i_pred, i_true):
    # SymmetricMeanSquaredNormLoss.forward, batch_size > 1 branch
    bix = jnp.arange(y_pred.shape[0])[:, None]
    return 0.5 * (_msn(y_pred, y_true[bix, i_pred]) + _msn(y_pred[bix, i_true], y_true))


def setup_inputs(seed: int = 0) -> dict:
    key = jax.random.key(seed)
    ks = jax.random.split(key, 8)
    B, N = 2, 4096
    inp = {
        'yp_white_pts': jax.random.normal(ks[0], (B, N, 3), dtype=jnp.float32),
        'yp_pial_pts': jax.random.normal(ks[1], (B, N, 3), dtype=jnp.float32),
        'yt_white_pts': jax.random.normal(ks[2], (B, N, 3), dtype=jnp.float32),
        'yt_pial_pts': jax.random.normal(ks[3], (B, N, 3), dtype=jnp.float32),
        'yp_white_idx': jax.random.randint(ks[4], (B, N), 0, N, dtype=jnp.int64) if jax.config.jax_enable_x64 else jax.random.randint(ks[4], (B, N), 0, N).astype(jnp.int32),
        'yt_white_idx': jax.random.randint(ks[5], (B, N), 0, N).astype(jnp.int32),
        'yp_pial_idx': jax.random.randint(ks[6], (B, N), 0, N).astype(jnp.int32),
        'yt_pial_idx': jax.random.randint(ks[7], (B, N), 0, N).astype(jnp.int32),
    }
    inp['yp_white_idx'] = inp['yp_white_idx'].astype(jnp.int32)
    return inp


def reference(yp_white_pts, yp_pial_pts, yt_white_pts, yt_pial_pts,
              yp_white_idx, yt_white_idx, yp_pial_idx, yt_pial_idx):
    # SymmetricThicknessLoss.forward
    yp_inner_th, yp_outer_th = _thickness_vectors(yp_white_pts, yp_pial_pts)
    yt_inner_th, yt_outer_th = _thickness_vectors(yt_white_pts, yt_pial_pts)
    loss = 0.5 * _sym_msn(yp_inner_th, yt_inner_th, yp_white_idx, yt_white_idx) \
         + 0.5 * _sym_msn(yp_outer_th, yt_outer_th, yp_pial_idx, yt_pial_idx)
    return loss

if __name__ == "__main__":
    import jax
    _d = setup_inputs()
    print(jax.jit(kernel)(*tuple(_d.values())))

</pallas_src>

<mosaic_0001>
#map = affine_map<(d0, d1) -> (0, 0)>
#map1 = affine_map<(d0, d1) -> (0)>
module attributes {stable_mosaic.version = 14 : i64} {
  func.func @k(%arg0: i32, %arg1: i32, %arg2: memref<32768x128xf32, #tpu.memory_space<hbm>>, %arg3: memref<32768xi32, #tpu.memory_space<hbm>>, %arg4: memref<32768x128xf32, #tpu.memory_space<hbm>>, %arg5: memref<256xi32, #tpu.memory_space<vmem>>, %arg6: memref<256x128xf32, #tpu.memory_space<vmem>>, %arg7: memref<!tpu.dma_semaphore, #tpu.memory_space<semaphore_mem>>) attributes {dimension_semantics = [#tpu.dimension_semantics<core_parallel>, #tpu.dimension_semantics<subcore_parallel>], iteration_bounds = array<i64: 2, 16>, scalar_prefetch = 0 : i64, scratch_operands = 3 : i64, tpu.core_type = #tpu.core_type<sc_vector_subcore>, window_params = [{transform_indices = #map}, {transform_indices = #map1}, {transform_indices = #map}]} {
    %mul3A = arith.constant 2 : i32
    %mul3A_0 = arith.muli %arg1, %mul3A : i32
    %add3A = arith.addi %mul3A_0, %arg0 : i32
    %mul3A_1 = arith.constant 1024 : i32
    %mul3A_2 = arith.muli %add3A, %mul3A_1 : i32
    %scan3A = arith.constant 0 : i32
    %scan3A_3 = arith.constant 4 : i32
    %scan3A_4 = arith.addi %scan3A, %scan3A_3 : i32
    %scan3A_5 = arith.constant 1 : i32
    scf.for %scan3A_7 = %scan3A to %scan3A_4 step %scan3A_5  : i32 {
      %mul3A_8 = arith.constant 1 : i32
      %mul3A_9 = arith.muli %scan3A_7, %mul3A_8 : i32
      %add3A_10 = arith.constant 0 : i32
      %add3A_11 = arith.addi %add3A_10, %mul3A_9 : i32
      %mul3A_12 = arith.constant 256 : i32
      %mul3A_13 = arith.muli %add3A_11, %mul3A_12 : i32
      %add3A_14 = arith.addi %mul3A_2, %mul3A_13 : i32
      "tpu.region"() ({
        %run_scoped3A = tpu.sem_alloc : memref<!tpu.dma_semaphore, #tpu.memory_space<semaphore_mem>>
        %dma_start3A_19 = tpu.memref_slice %arg3[%add3A_14] : memref<32768xi32, #tpu.memory_space<hbm>> -> memref<256xi32, #tpu.memory_space<hbm>>
        %dma_start3A_20 = tpu.memref_slice %arg3[%add3A_14] : memref<32768xi32, #tpu.memory_space<hbm>> -> memref<256xi32, #tpu.memory_space<hbm>>
        tpu.enqueue_dma source(%dma_start3A_20 : memref<256xi32, #tpu.memory_space<hbm>>) target(%arg5 : memref<256xi32, #tpu.memory_space<vmem>>) target_semaphore(%run_scoped3A : memref<!tpu.dma_semaphore, #tpu.memory_space<semaphore_mem>>)
        %dma_wait3A_21 = tpu.memref_slice %arg3[%add3A_14] : memref<32768xi32, #tpu.memory_space<hbm>> -> memref<256xi32, #tpu.memory_space<hbm>>
        %dma_wait3A_22 = tpu.memref_slice %arg3[%add3A_14] : memref<32768xi32, #tpu.memory_space<hbm>> -> memref<256xi32, #tpu.memory_space<hbm>>
        tpu.wait_dma2 semaphore(%run_scoped3A : memref<!tpu.dma_semaphore, #tpu.memory_space<semaphore_mem>>) src(%dma_wait3A_22 : memref<256xi32, #tpu.memory_space<hbm>>) dst(%arg5 : memref<256xi32, #tpu.memory_space<vmem>>)
        tpu.yield
      }) : () -> ()
      %dma_start3A = arith.constant 0 : i32
      %dma_start3A_15 = arith.constant 0 : i32
      %dma_start3A_16 = tpu.memref_slice %arg2[%dma_start3A, %dma_start3A_15] : memref<32768x128xf32, #tpu.memory_space<hbm>> -> memref<32768x128xf32, #tpu.memory_space<hbm>>
      tpu.enqueue_indirect_dma source(%dma_start3A_16 : memref<32768x128xf32, #tpu.memory_space<hbm>>) target(%arg6 : memref<256x128xf32, #tpu.memory_space<vmem>>) offsets(%arg5 : memref<256xi32, #tpu.memory_space<vmem>>) semaphore(%arg7 : memref<!tpu.dma_semaphore, #tpu.memory_space<semaphore_mem>>)
      %dma_wait3A = arith.constant 0 : i32
      %dma_wait3A_17 = arith.constant 0 : i32
      %dma_wait3A_18 = tpu.memref_slice %arg2[%dma_wait3A, %dma_wait3A_17] : memref<32768x128xf32, #tpu.memory_space<hbm>> -> memref<32768x128xf32, #tpu.memory_space<hbm>>
      tpu.wait_indirect_dma semaphore(%arg7 : memref<!tpu.dma_semaphore, #tpu.memory_space<semaphore_mem>>) src(%dma_wait3A_18 : memref<32768x128xf32, #tpu.memory_space<hbm>>) dst(%arg6 : memref<256x128xf32, #tpu.memory_space<vmem>>)
      "tpu.region"() ({
        %run_scoped3A = tpu.sem_alloc : memref<!tpu.dma_semaphore, #tpu.memory_space<semaphore_mem>>
        %dma_start3A_19 = arith.constant 0 : i32
        %dma_start3A_20 = tpu.memref_slice %arg4[%add3A_14, %dma_start3A_19] : memref<32768x128xf32, #tpu.memory_space<hbm>> -> memref<256x128xf32, #tpu.memory_space<hbm>>
        %dma_start3A_21 = arith.constant 0 : i32
        %dma_start3A_22 = tpu.memref_slice %arg4[%add3A_14, %dma_start3A_21] : memref<32768x128xf32, #tpu.memory_space<hbm>> -> memref<256x128xf32, #tpu.memory_space<hbm>>
        tpu.enqueue_dma source(%arg6 : memref<256x128xf32, #tpu.memory_space<vmem>>) target(%dma_start3A_22 : memref<256x128xf32, #tpu.memory_space<hbm>>) target_semaphore(%run_scoped3A : memref<!tpu.dma_semaphore, #tpu.memory_space<semaphore_mem>>)
        %dma_wait3A_23 = arith.constant 0 : i32
        %dma_wait3A_24 = tpu.memref_slice %arg4[%add3A_14, %dma_wait3A_23] : memref<32768x128xf32, #tpu.memory_space<hbm>> -> memref<256x128xf32, #tpu.memory_space<hbm>>
        %dma_wait3A_25 = arith.constant 0 : i32
        %dma_wait3A_26 = tpu.memref_slice %arg4[%add3A_14, %dma_wait3A_25] : memref<32768x128xf32, #tpu.memory_space<hbm>> -> memref<256x128xf32, #tpu.memory_space<hbm>>
        tpu.wait_dma2 semaphore(%run_scoped3A : memref<!tpu.dma_semaphore, #tpu.memory_space<semaphore_mem>>) src(%arg6 : memref<256x128xf32, #tpu.memory_space<vmem>>) dst(%dma_wait3A_26 : memref<256x128xf32, #tpu.memory_space<hbm>>)
        tpu.yield
      }) : () -> ()
    }
    %scan3A_6 = arith.constant 4 : i32
    return
  }
}

module attributes {stable_mosaic.version = 14 : i64} {
  func.func @_th_kernel(%arg0: i32, %arg1: i32, %arg2: i32, %arg3: memref<1x1x512x16xf32, #tpu.memory_space<vmem>>, %arg4: memref<1x1x16x4096xf32, #tpu.memory_space<vmem>>, %arg5: memref<1x1x4096x16xf32, #tpu.memory_space<vmem>>, %arg6: memref<1x1x512x128xf32, #tpu.memory_space<vmem>>) attributes {dimension_semantics = [#tpu.dimension_semantics<arbitrary>, #tpu.dimension_semantics<arbitrary>, #tpu.dimension_semantics<arbitrary>], iteration_bounds = array<i64: 4, 2, 8>, scalar_prefetch = 0 : i64, scratch_operands = 0 : i64, tpu.core_type = #tpu.core_type<tc>, window_params = [{transform_indices = @transform_0, window_bounds = array<i64: 1, 1, 512, 16>}, {transform_indices = @transform_1, window_bounds = array<i64: 1, 1, 16, 4096>}, {transform_indices = @transform_2, window_bounds = array<i64: 1, 1, 4096, 16>}, {transform_indices = @transform_3, window_bounds = array<i64: 1, 1, 512, 128>}]} {
    %jit3A = arith.constant 2 : i32
    %eq3A = arith.constant 0 : i32
    %eq3A_0 = arith.cmpi eq, %jit3A, %eq3A : i32
    %jit3A_1 = arith.constant 1 : i32
    %select_n3A = arith.select %eq3A_0, %jit3A_1, %jit3A : i32
    %rem3A = arith.remsi %arg0, %select_n3A : i32
    %ne3A = arith.constant 0 : i32
    %ne3A_2 = arith.cmpi ne, %rem3A, %ne3A : i32
    %lt3A = arith.constant 0 : i32
    %lt3A_3 = arith.cmpi slt, %rem3A, %lt3A : i32
    %lt3A_4 = arith.constant 0 : i32
    %lt3A_5 = arith.cmpi slt, %select_n3A, %lt3A_4 : i32
    %ne3A_6 = arith.xori %lt3A_3, %lt3A_5 : i1
    %and3A = arith.andi %ne3A_6, %ne3A_2 : i1
    %add3A = arith.addi %rem3A, %select_n3A : i32
    %select_n3A_7 = arith.select %and3A, %add3A, %rem3A : i32
    %mul3A = arith.constant 2 : i32
    %mul3A_8 = arith.muli %mul3A, %select_n3A_7 : i32
    %sub3A = arith.constant 1 : i32
    %sub3A_9 = arith.subi %sub3A, %mul3A_8 : i32
    %convert_element_type3A = arith.sitofp %sub3A_9 : i32 to f32
    %get3A = arith.constant 0 : index
    %get3A_10 = arith.constant 0 : index
    %get3A_11 = arith.constant 0 : index
    %get3A_12 = arith.constant 0 : index
    %get3A_13 = vector.load %arg4[%get3A, %get3A_10, %get3A_11, %get3A_12] : memref<1x1x16x4096xf32, #tpu.memory_space<vmem>>, vector<1x1x16x4096xf32>
    %get3A_14 = vector.shape_cast %get3A_13 : vector<1x1x16x4096xf32> to vector<16x4096xf32>
    %slice3A = vector.extract_strided_slice %get3A_14 {offsets = [0, 0], sizes = [1, 4096], strides = [1, 1]} : vector<16x4096xf32> to vector<1x4096xf32>
    %slice3A_15 = vector.extract_strided_slice %get3A_14 {offsets = [1, 0], sizes = [1, 4096], strides = [1, 1]} : vector<16x4096xf32> to vector<1x4096xf32>
    %slice3A_16 = vector.extract_strided_slice %get3A_14 {offsets = [2, 0], sizes = [1, 4096], strides = [1, 1]} : vector<16x4096xf32> to vector<1x4096xf32>
    %mul3A_17 = arith.mulf %slice3A, %slice3A : vector<1x4096xf32>
    %mul3A_18 = arith.mulf %slice3A_15, %slice3A_15 : vector<1x4096xf32>
    %add3A_19 = arith.addf %mul3A_17, %mul3A_18 : vector<1x4096xf32>
    %mul3A_20 = arith.mulf %slice3A_16, %slice3A_16 : vector<1x4096xf32>
    %add3A_21 = arith.addf %add3A_19, %mul3A_20 : vector<1x4096xf32>
    %add3A_22 = arith.addf %get3A_14, %get3A_14 : vector<16x4096xf32>
    %convert_element_type3A_23 = arith.truncf %add3A_22 : vector<16x4096xf32> to vector<16x4096xbf16>
    %get3A_24 = arith.constant 0 : index
    %get3A_25 = arith.constant 0 : index
    %get3A_26 = arith.constant 0 : index
    %get3A_27 = arith.constant 0 : index
    %get3A_28 = vector.load %arg5[%get3A_24, %get3A_25, %get3A_26, %get3A_27] : memref<1x1x4096x16xf32, #tpu.memory_space<vmem>>, vector<1x1x4096x16xf32>
    %get3A_29 = vector.shape_cast %get3A_28 : vector<1x1x4096x16xf32> to vector<4096x16xf32>
    %convert_element_type3A_30 = arith.truncf %get3A_29 : vector<4096x16xf32> to vector<4096x16xbf16>
    %get3A_31 = arith.constant 0 : index
    %get3A_32 = arith.constant 0 : index
    %get3A_33 = arith.constant 0 : index
    %get3A_34 = arith.constant 0 : index
    %get3A_35 = vector.load %arg3[%get3A_31, %get3A_32, %get3A_33, %get3A_34] : memref<1x1x512x16xf32, #tpu.memory_space<vmem>>, vector<1x1x512x16xf32>
    %get3A_36 = vector.shape_cast %get3A_35 : vector<1x1x512x16xf32> to vector<512x16xf32>
    %slice3A_37 = vector.extract_strided_slice %get3A_36 {offsets = [0, 0], sizes = [256, 16], strides = [1, 1]} : vector<512x16xf32> to vector<256x16xf32>
    %convert_element_type3A_38 = arith.truncf %slice3A_37 : vector<256x16xf32> to vector<256x16xbf16>
    %dot_general3A = arith.constant dense<0.000000e+00> : vector<256x4096xf32>
    %dot_general3A_39 = tpu.matmul %convert_element_type3A_38, %convert_element_type3A_23, %dot_general3A {dimension_numbers = #tpu.dot_dimension_numbers<[1], [0], [0], [1], [0, 0, 1, 1], [], []>, transpose_lhs_hint = false} : vector<256x16xbf16>, vector<16x4096xbf16>, vector<256x4096xf32> -> vector<256x4096xf32>
    %sub3A_40 = vector.broadcast %add3A_21 : vector<1x4096xf32> to vector<256x4096xf32>
    %sub3A_41 = arith.subf %sub3A_40, %dot_general3A_39 : vector<256x4096xf32>
    %reduce_min3A = arith.constant dense<0x7F800000> : vector<256xf32>
    %reduce_min3A_42 = vector.multi_reduction <minimumf>, %sub3A_41, %reduce_min3A [1] : vector<256x4096xf32> to vector<256xf32>
    %broadcast_in_dim3A = vector.shape_cast %reduce_min3A_42 : vector<256xf32> to vector<256x1xf32>
    %eq3A_43 = vector.broadcast %broadcast_in_dim3A : vector<256x1xf32> to vector<256x4096xf32>
    %eq3A_44 = arith.cmpf oeq, %sub3A_41, %eq3A_43 : vector<256x4096xf32>
    %convert_element_type3A_45 = arith.extui %eq3A_44 : vector<256x4096xi1> to vector<256x4096xi32>
    %convert_element_type3A_46 = arith.sitofp %convert_element_type3A_45 : vector<256x4096xi32> to vector<256x4096xf32>
    %convert_element_type3A_47 = arith.truncf %convert_element_type3A_46 : vector<256x4096xf32> to vector<256x4096xbf16>
    %dot_general3A_48 = arith.constant dense<0.000000e+00> : vector<256x16xf32>
    %dot_general3A_49 = tpu.matmul %convert_element_type3A_47, %convert_element_type3A_30, %dot_general3A_48 {dimension_numbers = #tpu.dot_dimension_numbers<[1], [0], [0], [1], [0, 0, 1, 1], [], []>, transpose_lhs_hint = false} : vector<256x4096xbf16>, vector<4096x16xbf16>, vector<256x16xf32> -> vector<256x16xf32>
    %slice3A_50 = vector.extract_strided_slice %dot_general3A_49 {offsets = [0, 15], sizes = [256, 1], strides = [1, 1]} : vector<256x16xf32> to vector<256x1xf32>
    %div3A = arith.constant 1.000000e+00 : f32
    %div3A_51 = vector.broadcast %div3A : f32 to vector<256x1xf32>
    %div3A_52 = arith.divf %div3A_51, %slice3A_50 : vector<256x1xf32>
    %mul3A_53 = vector.broadcast %div3A_52 : vector<256x1xf32> to vector<256x16xf32>
    %mul3A_54 = arith.mulf %dot_general3A_49, %mul3A_53 : vector<256x16xf32>
    %sub3A_55 = arith.subf %mul3A_54, %slice3A_37 : vector<256x16xf32>
    %mul3A_56 = vector.broadcast %convert_element_type3A : f32 to vector<256x16xf32>
    %mul3A_57 = arith.mulf %mul3A_56, %sub3A_55 : vector<256x16xf32>
    %broadcast_in_dim3A_58 = arith.constant 0.000000e+00 : f32
    %broadcast_in_dim3A_59 = vector.broadcast %broadcast_in_dim3A_58 : f32 to vector<256x112xf32>
    %concatenate3A = tpu.concatenate %mul3A_57, %broadcast_in_dim3A_59 in 1 : vector<256x16xf32>, vector<256x112xf32> -> vector<256x128xf32>
    %swap3A = arith.constant 0 : index
    %swap3A_60 = arith.constant 0 : index
    %swap3A_61 = arith.constant 0 : index
    %swap3A_62 = arith.constant 0 : index
    %swap3A_63 = vector.load %arg6[%swap3A, %swap3A_60, %swap3A_61, %swap3A_62] : memref<1x1x512x128xf32, #tpu.memory_space<vmem>>, vector<1x1x256x128xf32>
    %swap3A_64 = vector.shape_cast %swap3A_63 : vector<1x1x256x128xf32> to vector<256x128xf32>
    %swap3A_65 = vector.shape_cast %concatenate3A : vector<256x128xf32> to vector<1x1x256x128xf32>
    tpu.vector_store %arg6[%swap3A, %swap3A_60, %swap3A_61, %swap3A_62], %swap3A_65 {strides = array<i32>} : memref<1x1x512x128xf32, #tpu.memory_space<vmem>>, vector<1x1x256x128xf32>,
    %get3A_66 = arith.constant 0 : index
    %get3A_67 = arith.constant 0 : index
    %get3A_68 = arith.constant 0 : index
    %get3A_69 = arith.constant 0 : index
    %get3A_70 = vector.load %arg3[%get3A_66, %get3A_67, %get3A_68, %get3A_69] : memref<1x1x512x16xf32, #tpu.memory_space<vmem>>, vector<1x1x512x16xf32>
    %get3A_71 = vector.shape_cast %get3A_70 : vector<1x1x512x16xf32> to vector<512x16xf32>
    %slice3A_72 = vector.extract_strided_slice %get3A_71 {offsets = [256, 0], sizes = [256, 16], strides = [1, 1]} : vector<512x16xf32> to vector<256x16xf32>
    %convert_element_type3A_73 = arith.truncf %slice3A_72 : vector<256x16xf32> to vector<256x16xbf16>
    %dot_general3A_74 = arith.constant dense<0.000000e+00> : vector<256x4096xf32>
    %dot_general3A_75 = tpu.matmul %convert_element_type3A_73, %convert_element_type3A_23, %dot_general3A_74 {dimension_numbers = #tpu.dot_dimension_numbers<[1], [0], [0], [1], [0, 0, 1, 1], [], []>, transpose_lhs_hint = false} : vector<256x16xbf16>, vector<16x4096xbf16>, vector<256x4096xf32> -> vector<256x4096xf32>
    %sub3A_76 = vector.broadcast %add3A_21 : vector<1x4096xf32> to vector<256x4096xf32>
    %sub3A_77 = arith.subf %sub3A_76, %dot_general3A_75 : vector<256x4096xf32>
    %reduce_min3A_78 = arith.constant dense<0x7F800000> : vector<256xf32>
    %reduce_min3A_79 = vector.multi_reduction <minimumf>, %sub3A_77, %reduce_min3A_78 [1] : vector<256x4096xf32> to vector<256xf32>
    %broadcast_in_dim3A_80 = vector.shape_cast %reduce_min3A_79 : vector<256xf32> to vector<256x1xf32>
    %eq3A_81 = vector.broadcast %broadcast_in_dim3A_80 : vector<256x1xf32> to vector<256x4096xf32>
    %eq3A_82 = arith.cmpf oeq, %sub3A_77, %eq3A_81 : vector<256x4096xf32>
    %convert_element_type3A_83 = arith.extui %eq3A_82 : vector<256x4096xi1> to vector<256x4096xi32>
    %convert_element_type3A_84 = arith.sitofp %convert_element_type3A_83 : vector<256x4096xi32> to vector<256x4096xf32>
    %convert_element_type3A_85 = arith.truncf %convert_element_type3A_84 : vector<256x4096xf32> to vector<256x4096xbf16>
    %dot_general3A_86 = arith.constant dense<0.000000e+00> : vector<256x16xf32>
    %dot_general3A_87 = tpu.matmul %convert_element_type3A_85, %convert_element_type3A_30, %dot_general3A_86 {dimension_numbers = #tpu.dot_dimension_numbers<[1], [0], [0], [1], [0, 0, 1, 1], [], []>, transpose_lhs_hint = false} : vector<256x4096xbf16>, vector<4096x16xbf16>, vector<256x16xf32> -> vector<256x16xf32>
    %slice3A_88 = vector.extract_strided_slice %dot_general3A_87 {offsets = [0, 15], sizes = [256, 1], strides = [1, 1]} : vector<256x16xf32> to vector<256x1xf32>
    %div3A_89 = arith.constant 1.000000e+00 : f32
    %div3A_90 = vector.broadcast %div3A_89 : f32 to vector<256x1xf32>
    %div3A_91 = arith.divf %div3A_90, %slice3A_88 : vector<256x1xf32>
    %mul3A_92 = vector.broadcast %div3A_91 : vector<256x1xf32> to vector<256x16xf32>
    %mul3A_93 = arith.mulf %dot_general3A_87, %mul3A_92 : vector<256x16xf32>
    %sub3A_94 = arith.subf %mul3A_93, %slice3A_72 : vector<256x16xf32>
    %mul3A_95 = vector.broadcast %convert_element_type3A : f32 to vector<256x16xf32>
    %mul3A_96 = arith.mulf %mul3A_95, %sub3A_94 : vector<256x16xf32>
    %broadcast_in_dim3A_97 = arith.constant 0.000000e+00 : f32
    %broadcast_in_dim3A_98 = vector.broadcast %broadcast_in_dim3A_97 : f32 to vector<256x112xf32>
    %concatenate3A_99 = tpu.concatenate %mul3A_96, %broadcast_in_dim3A_98 in 1 : vector<256x16xf32>, vector<256x112xf32> -> vector<256x128xf32>
    %swap3A_100 = arith.constant 0 : index
    %swap3A_101 = arith.constant 0 : index
    %swap3A_102 = arith.constant 256 : index
    %swap3A_103 = arith.constant 0 : index
    %swap3A_104 = vector.load %arg6[%swap3A_100, %swap3A_101, %swap3A_102, %swap3A_103] : memref<1x1x512x128xf32, #tpu.memory_space<vmem>>, vector<1x1x256x128xf32>
    %swap3A_105 = vector.shape_cast %swap3A_104 : vector<1x1x256x128xf32> to vector<256x128xf32>
    %swap3A_106 = vector.shape_cast %concatenate3A_99 : vector<256x128xf32> to vector<1x1x256x128xf32>
    tpu.vector_store %arg6[%swap3A_100, %swap3A_101, %swap3A_102, %swap3A_103], %swap3A_106 {strides = array<i32>} : memref<1x1x512x128xf32, #tpu.memory_space<vmem>>, vector<1x1x256x128xf32>,
    return
  }
  func.func @transform_0(%arg0: i32, %arg1: i32, %arg2: i32) -> (i32, i32, i32, i32) {
    %c0_i32 = arith.constant 0 : i32
    %c0_i32_0 = arith.constant 0 : i32
    return %arg0, %arg1, %arg2, %c0_i32 : i32, i32, i32, i32
  }
  func.func @transform_1(%arg0: i32, %arg1: i32, %arg2: i32) -> (i32, i32, i32, i32) {
    %jit3A = arith.constant 2 : i32
    %div3A = arith.divsi %arg0, %jit3A : i32
    %sign3A = arith.constant 0 : i32
    %sign3A_0 = arith.cmpi sgt, %arg0, %sign3A : i32
    %sign3A_1 = arith.extui %sign3A_0 : i1 to i32
    %sign3A_2 = arith.constant 0 : i32
    %sign3A_3 = arith.cmpi slt, %arg0, %sign3A_2 : i32
    %sign3A_4 = arith.extui %sign3A_3 : i1 to i32
    %sign3A_5 = arith.subi %sign3A_1, %sign3A_4 : i32
    %sign3A_6 = arith.constant 0 : i32
    %sign3A_7 = arith.cmpi sgt, %jit3A, %sign3A_6 : i32
    %sign3A_8 = arith.extui %sign3A_7 : i1 to i32
    %sign3A_9 = arith.constant 0 : i32
    %sign3A_10 = arith.cmpi slt, %jit3A, %sign3A_9 : i32
    %sign3A_11 = arith.extui %sign3A_10 : i1 to i32
    %sign3A_12 = arith.subi %sign3A_8, %sign3A_11 : i32
    %ne3A = arith.cmpi ne, %sign3A_5, %sign3A_12 : i32
    %rem3A = arith.remsi %arg0, %jit3A : i32
    %ne3A_13 = arith.constant 0 : i32
    %ne3A_14 = arith.cmpi ne, %rem3A, %ne3A_13 : i32
    %and3A = arith.andi %ne3A, %ne3A_14 : i1
    %sub3A = arith.constant 1 : i32
    %sub3A_15 = arith.subi %div3A, %sub3A : i32
    %select_n3A = arith.select %and3A, %sub3A_15, %div3A : i32
    %mul3A = arith.constant 2 : i32
    %mul3A_16 = arith.muli %select_n3A, %mul3A : i32
    %jit3A_17 = arith.constant 2 : i32
    %eq3A = arith.constant 0 : i32
    %eq3A_18 = arith.cmpi eq, %jit3A_17, %eq3A : i32
    %jit3A_19 = arith.constant 1 : i32
    %select_n3A_20 = arith.select %eq3A_18, %jit3A_19, %jit3A_17 : i32
    %rem3A_21 = arith.remsi %arg0, %select_n3A_20 : i32
    %ne3A_22 = arith.constant 0 : i32
    %ne3A_23 = arith.cmpi ne, %rem3A_21, %ne3A_22 : i32
    %lt3A = arith.constant 0 : i32
    %lt3A_24 = arith.cmpi slt, %rem3A_21, %lt3A : i32
    %lt3A_25 = arith.constant 0 : i32
    %lt3A_26 = arith.cmpi slt, %select_n3A_20, %lt3A_25 : i32
    %ne3A_27 = arith.xori %lt3A_24, %lt3A_26 : i1
    %and3A_28 = arith.andi %ne3A_27, %ne3A_23 : i1
    %add3A = arith.addi %rem3A_21, %select_n3A_20 : i32
    %select_n3A_29 = arith.select %and3A_28, %add3A, %rem3A_21 : i32
    %sub3A_30 = arith.constant 1 : i32
    %sub3A_31 = arith.subi %sub3A_30, %select_n3A_29 : i32
    %add3A_32 = arith.addi %mul3A_16, %sub3A_31 : i32
    %c0_i32 = arith.constant 0 : i32
    %c0_i32_33 = arith.constant 0 : i32
    %c0_i32_34 = arith.constant 0 : i32
    return %add3A_32, %arg1, %c0_i32, %c0_i32_33 : i32, i32, i32, i32
  }
  func.func @transform_2(%arg0: i32, %arg1: i32, %arg2: i32) -> (i32, i32, i32, i32) {
    %jit3A = arith.constant 2 : i32
    %div3A = arith.divsi %arg0, %jit3A : i32
    %sign3A = arith.constant 0 : i32
    %sign3A_0 = arith.cmpi sgt, %arg0, %sign3A : i32
    %sign3A_1 = arith.extui %sign3A_0 : i1 to i32
    %sign3A_2 = arith.constant 0 : i32
    %sign3A_3 = arith.cmpi slt, %arg0, %sign3A_2 : i32
    %sign3A_4 = arith.extui %sign3A_3 : i1 to i32
    %sign3A_5 = arith.subi %sign3A_1, %sign3A_4 : i32
    %sign3A_6 = arith.constant 0 : i32
    %sign3A_7 = arith.cmpi sgt, %jit3A, %sign3A_6 : i32
    %sign3A_8 = arith.extui %sign3A_7 : i1 to i32
    %sign3A_9 = arith.constant 0 : i32
    %sign3A_10 = arith.cmpi slt, %jit3A, %sign3A_9 : i32
    %sign3A_11 = arith.extui %sign3A_10 : i1 to i32
    %sign3A_12 = arith.subi %sign3A_8, %sign3A_11 : i32
    %ne3A = arith.cmpi ne, %sign3A_5, %sign3A_12 : i32
    %rem3A = arith.remsi %arg0, %jit3A : i32
    %ne3A_13 = arith.constant 0 : i32
    %ne3A_14 = arith.cmpi ne, %rem3A, %ne3A_13 : i32
    %and3A = arith.andi %ne3A, %ne3A_14 : i1
    %sub3A = arith.constant 1 : i32
    %sub3A_15 = arith.subi %div3A, %sub3A : i32
    %select_n3A = arith.select %and3A, %sub3A_15, %div3A : i32
    %mul3A = arith.constant 2 : i32
    %mul3A_16 = arith.muli %select_n3A, %mul3A : i32
    %jit3A_17 = arith.constant 2 : i32
    %eq3A = arith.constant 0 : i32
    %eq3A_18 = arith.cmpi eq, %jit3A_17, %eq3A : i32
    %jit3A_19 = arith.constant 1 : i32
    %select_n3A_20 = arith.select %eq3A_18, %jit3A_19, %jit3A_17 : i32
    %rem3A_21 = arith.remsi %arg0, %select_n3A_20 : i32
    %ne3A_22 = arith.constant 0 : i32
    %ne3A_23 = arith.cmpi ne, %rem3A_21, %ne3A_22 : i32
    %lt3A = arith.constant 0 : i32
    %lt3A_24 = arith.cmpi slt, %rem3A_21, %lt3A : i32
    %lt3A_25 = arith.constant 0 : i32
    %lt3A_26 = arith.cmpi slt, %select_n3A_20, %lt3A_25 : i32
    %ne3A_27 = arith.xori %lt3A_24, %lt3A_26 : i1
    %and3A_28 = arith.andi %ne3A_27, %ne3A_23 : i1
    %add3A = arith.addi %rem3A_21, %select_n3A_20 : i32
    %select_n3A_29 = arith.select %and3A_28, %add3A, %rem3A_21 : i32
    %sub3A_30 = arith.constant 1 : i32
    %sub3A_31 = arith.subi %sub3A_30, %select_n3A_29 : i32
    %add3A_32 = arith.addi %mul3A_16, %sub3A_31 : i32
    %c0_i32 = arith.constant 0 : i32
    %c0_i32_33 = arith.constant 0 : i32
    %c0_i32_34 = arith.constant 0 : i32
    return %add3A_32, %arg1, %c0_i32, %c0_i32_33 : i32, i32, i32, i32
  }
  func.func @transform_3(%arg0: i32, %arg1: i32, %arg2: i32) -> (i32, i32, i32, i32) {
    %c0_i32 = arith.constant 0 : i32
    %c0_i32_0 = arith.constant 0 : i32
    return %arg0, %arg1, %arg2, %c0_i32 : i32, i32, i32, i32
  }
}

module attributes {stable_mosaic.version = 14 : i64} {
  func.func @_reduce_kernel(%arg0: i32, %arg1: i32, %arg2: i32, %arg3: memref<1x1x4096x128xf32, #tpu.memory_space<vmem>>, %arg4: memref<1x1x1x4096x128xf32, #tpu.memory_space<vmem>>, %arg5: memref<1x1xf32, #tpu.memory_space<vmem>>) attributes {dimension_semantics = [#tpu.dimension_semantics<arbitrary>, #tpu.dimension_semantics<arbitrary>, #tpu.dimension_semantics<arbitrary>], iteration_bounds = array<i64: 2, 2, 2>, scalar_prefetch = 0 : i64, scratch_operands = 0 : i64, tpu.core_type = #tpu.core_type<tc>, window_params = [{transform_indices = @transform_0, window_bounds = array<i64: 1, 1, 4096, 128>}, {transform_indices = @transform_1, window_bounds = array<i64: 1, 1, 1, 4096, 128>}, {pipeline_mode = #tpu.pipeline_mode<synchronous>, transform_indices = @transform_2, window_bounds = array<i64: 1, 1>}]} {
    %eq3A = arith.constant 0 : i32
    %eq3A_0 = arith.cmpi eq, %arg0, %eq3A : i32
    %eq3A_1 = arith.constant 0 : i32
    %eq3A_2 = arith.cmpi eq, %arg1, %eq3A_1 : i32
    %and3A = arith.andi %eq3A_0, %eq3A_2 : i1
    %eq3A_3 = arith.constant 0 : i32
    %eq3A_4 = arith.cmpi eq, %arg2, %eq3A_3 : i32
    %and3A_5 = arith.andi %and3A, %eq3A_4 : i1
    %convert_element_type3A = arith.extui %and3A_5 : i1 to i32
    %cond3A = arith.constant 0 : i32
    %cond3A_6 = arith.cmpi ne, %convert_element_type3A, %cond3A : i32
    scf.if %cond3A_6 {
      %broadcast_in_dim3A_39 = arith.constant 0.000000e+00 : f32
      %broadcast_in_dim3A_40 = vector.broadcast %broadcast_in_dim3A_39 : f32 to vector<1x1xf32>
      %swap3A_41 = arith.constant 0 : index
      %swap3A_42 = arith.constant 0 : index
      %swap3A_43 = vector.load %arg5[%swap3A_41, %swap3A_42] : memref<1x1xf32, #tpu.memory_space<vmem>>, vector<1x1xf32>
      tpu.vector_store %arg5[%swap3A_41, %swap3A_42], %broadcast_in_dim3A_40 {strides = array<i32>} : memref<1x1xf32, #tpu.memory_space<vmem>>, vector<1x1xf32>,
    } else {
    }
    %get3A = arith.constant 0 : index
    %get3A_7 = arith.constant 0 : index
    %get3A_8 = arith.constant 0 : index
    %get3A_9 = arith.constant 0 : index
    %get3A_10 = vector.load %arg3[%get3A, %get3A_7, %get3A_8, %get3A_9] : memref<1x1x4096x128xf32, #tpu.memory_space<vmem>>, vector<1x1x4096x128xf32>
    %get3A_11 = vector.shape_cast %get3A_10 : vector<1x1x4096x128xf32> to vector<4096x128xf32>
    %get3A_12 = arith.constant 0 : index
    %get3A_13 = arith.constant 0 : index
    %get3A_14 = arith.constant 0 : index
    %get3A_15 = arith.constant 0 : index
    %get3A_16 = arith.constant 0 : index
    %get3A_17 = vector.load %arg4[%get3A_12, %get3A_13, %get3A_14, %get3A_15, %get3A_16] : memref<1x1x1x4096x128xf32, #tpu.memory_space<vmem>>, vector<1x1x1x4096x128xf32>
    %get3A_18 = vector.shape_cast %get3A_17 : vector<1x1x1x4096x128xf32> to vector<4096x128xf32>
    %sub3A = arith.subf %get3A_11, %get3A_18 : vector<4096x128xf32>
    %get3A_19 = arith.constant 0 : index
    %get3A_20 = arith.constant 0 : index
    %get3A_21 = vector.load %arg5[%get3A_19, %get3A_20] : memref<1x1xf32, #tpu.memory_space<vmem>>, vector<1x1xf32>
    %mul3A = arith.mulf %sub3A, %sub3A : vector<4096x128xf32>
    %reduce_sum3A = vector.shape_cast %mul3A : vector<4096x128xf32> to vector<1x4096x128xf32>
    %reduce_sum3A_22 = arith.constant dense<0.000000e+00> : vector<1xf32>
    %reduce_sum3A_23 = vector.multi_reduction <add>, %reduce_sum3A, %reduce_sum3A_22 [1, 2] : vector<1x4096x128xf32> to vector<1xf32>
    %reduce_sum3A_24 = vector.shape_cast %reduce_sum3A_23 : vector<1xf32> to vector<1x1x1xf32>
    %reduce_sum3A_25 = vector.extract %reduce_sum3A_24[0, 0, 0] : f32 from vector<1x1x1xf32>
    %broadcast_in_dim3A = vector.broadcast %reduce_sum3A_25 : f32 to vector<1x1xf32>
    %add3A = arith.addf %get3A_21, %broadcast_in_dim3A : vector<1x1xf32>
    %swap3A = arith.constant 0 : index
    %swap3A_26 = arith.constant 0 : index
    %swap3A_27 = vector.load %arg5[%swap3A, %swap3A_26] : memref<1x1xf32, #tpu.memory_space<vmem>>, vector<1x1xf32>
    tpu.vector_store %arg5[%swap3A, %swap3A_26], %add3A {strides = array<i32>} : memref<1x1xf32, #tpu.memory_space<vmem>>, vector<1x1xf32>,
    %eq3A_28 = arith.constant 1 : i32
    %eq3A_29 = arith.cmpi eq, %arg0, %eq3A_28 : i32
    %eq3A_30 = arith.constant 1 : i32
    %eq3A_31 = arith.cmpi eq, %arg1, %eq3A_30 : i32
    %and3A_32 = arith.andi %eq3A_29, %eq3A_31 : i1
    %eq3A_33 = arith.constant 1 : i32
    %eq3A_34 = arith.cmpi eq, %arg2, %eq3A_33 : i32
    %and3A_35 = arith.andi %and3A_32, %eq3A_34 : i1
    %convert_element_type3A_36 = arith.extui %and3A_35 : i1 to i32
    %cond3A_37 = arith.constant 0 : i32
    %cond3A_38 = arith.cmpi ne, %convert_element_type3A_36, %cond3A_37 : i32
    scf.if %cond3A_38 {
      %get3A_39 = arith.constant 0 : index
      %get3A_40 = arith.constant 0 : index
      %get3A_41 = vector.load %arg5[%get3A_39, %get3A_40] : memref<1x1xf32, #tpu.memory_space<vmem>>, vector<1x1xf32>
      %mul3A_42 = arith.constant 3.05175781E-5 : f32
      %mul3A_43 = vector.broadcast %mul3A_42 : f32 to vector<1x1xf32>
      %mul3A_44 = arith.mulf %get3A_41, %mul3A_43 : vector<1x1xf32>
      %swap3A_45 = arith.constant 0 : index
      %swap3A_46 = arith.constant 0 : index
      %swap3A_47 = vector.load %arg5[%swap3A_45, %swap3A_46] : memref<1x1xf32, #tpu.memory_space<vmem>>, vector<1x1xf32>
      tpu.vector_store %arg5[%swap3A_45, %swap3A_46], %mul3A_44 {strides = array<i32>} : memref<1x1xf32, #tpu.memory_space<vmem>>, vector<1x1xf32>,
    } else {
    }
    return
  }
  func.func @transform_0(%arg0: i32, %arg1: i32, %arg2: i32) -> (i32, i32, i32, i32) {
    %mul3A = arith.constant 2 : i32
    %mul3A_0 = arith.muli %mul3A, %arg1 : i32
    %add3A = arith.addi %arg0, %mul3A_0 : i32
    %c0_i32 = arith.constant 0 : i32
    %c0_i32_1 = arith.constant 0 : i32
    %c0_i32_2 = arith.constant 0 : i32
    return %add3A, %arg2, %c0_i32, %c0_i32_1 : i32, i32, i32, i32
  }
  func.func @transform_1(%arg0: i32, %arg1: i32, %arg2: i32) -> (i32, i32, i32, i32, i32) {
    %c0_i32 = arith.constant 0 : i32
    %c0_i32_0 = arith.constant 0 : i32
    %c0_i32_1 = arith.constant 0 : i32
    return %arg0, %arg1, %arg2, %c0_i32, %c0_i32_0 : i32, i32, i32, i32, i32
  }
  func.func @transform_2(%arg0: i32, %arg1: i32, %arg2: i32) -> (i32, i32) {
    %c0_i32 = arith.constant 0 : i32
    %c0_i32_0 = arith.constant 0 : i32
    %c0_i32_1 = arith.constant 0 : i32
    return %c0_i32, %c0_i32_0 : i32, i32
  }
}

</mosaic_0001>

<sc_bundles>
// kernel: kernel.5.cloned.1.call-start
scs
__scs_entry_jumppad:
0x0: {  	(pc) =	sbr.rel $0x88, $3  }
0x1: {  	(tag) =	ssettag $0x0;
	lr =	simm.s32 $0x1  }
0x2: {  	[smem:$0x3F99] =	sst lr;
	_ =	strace $0xD0000000  }
0x3: {  	_ = 	snop  }
0x4: {  	_ = 	snop  }
0x5: {  	_ = 	snop  }
0x6: {  	_ = 	snop  }
0x7: {  	_ = 	snop  }
__scs_overlays_trampoline_lowered:
0x8: {  	[smem:$0x3FA8] =	sst s0  }
0x9: {  	[smem:$0x3FA9] =	sst s1  }
0xa: {  	[smem:$0x3FAA] =	sst s2  }
0xb: {  	[smem:$0x3FAB] =	sst s3  }
0xc: {  	[smem:$0x3FAC] =	sst s4  }
0xd: {  	[smem:$0x3FAD] =	sst s5  }
0xe: {  	[smem:$0x3FAE] =	sst s6  }
0xf: {  	[smem:$0x3FAF] =	sst s7  }
0x10: {  	[smem:$0x3FB0] =	sst s8  }
0x11: {  	[smem:$0x3FB1] =	sst s9;
	s0 =	simm.s32 @!p0 $0x0  }
0x12: {  	s1 =	sld [smem:$0x3F97];
	s0 =	simm.s32 @p0 $0x1  }
0x13: {  	[smem:$0x3FB2] =	sst s0;
	s0 =	simm.s32 @!p1 $0x0  }
0x14: {  	s2 =	sld [smem:$0x3F96];
	s0 =	simm.s32 @p1 $0x1  }
0x15: {  	[smem:$0x3FB3] =	sst s0;
	s0 =	simm.s32 @!p2 $0x0  }
0x16: {  	s3 =	sld [smem:$0x3FDB];
	s0 =	simm.s32 @p2 $0x1  }
0x17: {  	s4 =	simm.s32 $0x1BF5;
	[smem:$0x3FB5] =	sst s0  }
0x18: {  	s0 =	sld [smem:$0x3F98];
	_ =	swait.ge [sflag:s4], $0x0  }
0x19: {  	s7 =	sld [smem:$0x3F99]  }
0x1a: {  	s8 =	sadd.s32 $0xFFFFE003, lr  }
0x1b: {  	s9 =	sadd.s32 $0xFFFFFEF7, lr;
	s5 =	simm.s32 $0xFFFFFFFF;
	p2 =	slt.u32 s8, $0xFFFFF086  }
0x1c: {  	p1 =	slt.u32 s9, $0xF7A;
	s5 =	simm.s32 @!p2 $0x0  }
0x1d: {  	s5 =	simm.s32 @p1 $0x1;
	p0 =	seq.s32 s7, s2  }
0x1e: {  	s7 =	smul.u32 @!p0 $0xF7A, s2;
	p2 =	seq.s32 @!p0 s5, $0x0  }
0x1f: {  	s9 =	smul.u32 $0xF7A, s1;
	s8 =	simm.s32 @!p0 $0x1BF5;
	p2 =	por !p2, p0  }
0x20: {  	[sflag:s8] =	ssyncset.s32 @!p0 $0xFFFFF086;
	s6 =	sadd.s32 @!p0 s3, s7;
	s7 =	simm.s32 @!p0 $0x108  }
0x21: {  	s3 =	sadd.s32 s3, s9;
	s6 =	sadd.s32 @!p0 $0x88, s6;
	s7 =	simm.s32 @p2 $0x1082  }
0x22: {  	[simem:s7], [sflag:s8] =	dma.local @!p0 [hbm:s6], $0xF7A  }
0x23: {  	s9 =	sor.u32 $0xD0000000, s2;
	s6 =	simm.s32 $0x108;
	_ =	swait.ge @!p0 [sflag:s8], $0x0  }
0x24: {  	s3 =	sadd.s32 $0x88, s3;
	s6 =	simm.s32 @!p1 $0x1082;
	[sflag:s4] =	ssyncset.s32 $0xFFFFF086  }
0x25: {  	[simem:s6], [sflag:s4] =	dma.local [hbm:s3], $0xF7A  }
0x26: {  	[smem:$0x3F99] =	sst s1;
	(tag) =	ssettag s2;
	_ =	strace s9  }
0x27: {  	s1 =	sld [smem:$0x3FA9]  }
0x28: {  	s2 =	sld [smem:$0x3FAA]  }
0x29: {  	s4 =	sld [smem:$0x3FAC]  }
0x2a: {  	p0 =	seq.s32 s5, $0x0;
	s5 =	sld [smem:$0x3FAD]  }
0x2b: {  	s6 =	sld [smem:$0x3FAE]  }
0x2c: {  	s7 =	sld [smem:$0x3FAF]  }
0x2d: {  	s3 =	simm.s32 $0x108;
	s8 =	sld [smem:$0x3FB0]  }
0x2e: {  	s3 =	simm.s32 @!p0 $0x1082;
	s9 =	sld [smem:$0x3FB1]  }
0x2f: {  	lr =	sadd.s32 s0, s3;
	s0 =	sld [smem:$0x3FA8]  }
0x30: {  	s3 =	sld [smem:$0x3FAB]  }
0x31: {  	[smem:$0x3FB4] =	sst s10  }
0x32: {  	s10 =	sld [smem:$0x3FB2];
	_ =	sdelay $0x3  }
0x33: {  	p0 =	seq.s32 s10, $0x1;
	s10 =	sld [smem:$0x3FB4];
	_ =	sdelay $0x3  }
0x34: {  	[smem:$0x3FB4] =	sst s10  }
0x35: {  	s10 =	sld [smem:$0x3FB3];
	_ =	sdelay $0x3  }
0x36: {  	p1 =	seq.s32 s10, $0x1;
	s10 =	sld [smem:$0x3FB4];
	_ =	sdelay $0x3  }
0x37: {  	[smem:$0x3FB4] =	sst s10  }
0x38: {  	s10 =	sld [smem:$0x3FB5]  }
0x39: {  	_ = 	snop;
	(pc) =	sbr.ind lr, $3  }
0x3a: {  	_ = 	snop  }
0x3b: {  	_ = 	snop  }
0x3c: {  	p2 =	seq.s32 s10, $0x1;
	s10 =	sld [smem:$0x3FB4]  }
0x3d: {  	_ =	shalt  }
0x3e: {  	_ =	shalt  }
0x3f: {  	_ =	shalt  }
0x40: {  	_ =	shalt  }
0x41: {  	_ =	shalt  }
0x42: {  	_ =	shalt  }
0x43: {  	_ =	shalt  }
0x44: {  	_ =	shalt  }
0x45: {  	_ =	shalt  }
0x46: {  	_ =	shalt  }
0x47: {  	_ =	shalt  }
0x48: {  	_ =	shalt  }
0x49: {  	_ =	shalt  }
0x4a: {  	_ =	shalt  }
0x4b: {  	_ =	shalt  }
0x4c: {  	_ =	shalt  }
0x4d: {  	_ =	shalt  }
0x4e: {  	_ =	shalt  }
0x4f: {  	_ =	shalt  }
0x50: {  	_ =	shalt  }
0x51: {  	_ =	shalt  }
0x52: {  	_ =	shalt  }
0x53: {  	_ =	shalt  }
0x54: {  	_ =	shalt  }
0x55: {  	_ =	shalt  }
0x56: {  	_ =	shalt  }
0x57: {  	_ =	shalt  }
0x58: {  	_ =	shalt  }
0x59: {  	_ =	shalt  }
0x5a: {  	_ =	shalt  }
0x5b: {  	_ =	shalt  }
0x5c: {  	_ =	shalt  }
0x5d: {  	_ =	shalt  }
0x5e: {  	_ =	shalt  }
0x5f: {  	_ =	shalt  }
0x60: {  	_ =	shalt  }
0x61: {  	_ =	shalt  }
0x62: {  	_ =	shalt  }
0x63: {  	_ =	shalt  }
0x64: {  	_ =	shalt  }
0x65: {  	_ =	shalt  }
0x66: {  	_ =	shalt  }
0x67: {  	_ =	shalt  }
0x68: {  	_ =	shalt  }
0x69: {  	_ =	shalt  }
0x6a: {  	_ =	shalt  }
0x6b: {  	_ =	shalt  }
0x6c: {  	_ =	shalt  }
0x6d: {  	_ =	shalt  }
0x6e: {  	_ =	shalt  }
0x6f: {  	_ =	shalt  }
0x70: {  	_ =	shalt  }
0x71: {  	_ =	shalt  }
0x72: {  	_ =	shalt  }
0x73: {  	_ =	shalt  }
0x74: {  	_ =	shalt  }
0x75: {  	_ =	shalt  }
0x76: {  	_ =	shalt  }
0x77: {  	_ =	shalt  }
0x78: {  	_ =	shalt  }
0x79: {  	_ =	shalt  }
0x7a: {  	_ =	shalt  }
0x7b: {  	_ =	shalt  }
0x7c: {  	_ =	shalt  }
0x7d: {  	_ =	shalt  }
0x7e: {  	_ =	shalt  }
0x7f: {  	_ =	shalt  }
0x80: {  	_ =	shalt  }
0x81: {  	_ =	shalt  }
0x82: {  	_ =	shalt  }
0x83: {  	_ =	shalt  }
0x84: {  	_ =	shalt  }
0x85: {  	_ =	shalt  }
0x86: {  	_ =	shalt  }
0x87: {  	_ =	shalt  }
.Lfunc_end0:
.L_simem_size_0:
called_computation_lowered:
.L_overlay_start_0:
0x88: {  	s2 =	sld [smem:$0x3FD9]  }
0x89: {  	s3 =	sld [smem:$0x3FFE];
	_ =	sdelay $0x1  }
0x8a: {  	s1 =	srdreg.scid  }
0x8b: {  	s0 =	sand.u32 $0x1, s1  }
0x8c: {  	s16 =	sshll.u32 s0, $0xA;
	s2 =	sadd.s32 s3, s2  }
0x8d: {  	s2 =	sadd.s32 s2, s16  }
0x8e: {  	[smem:$0x3FC0] =	sst s2  }
0x8f: {  	_ = 	snop  }
0x90: {  	(tm) =	ssettm $0x1  }
0x91: {  	s17 =	sld [smem:$0x3FFB];
	_ =	sdelay $0x3  }
0x92: {  	_ =	strace s17  }
0x93: {  	s2 =	sld [smem:$0x3FFC];
	_ =	sdelay $0x3  }
0x94: {  	_ =	strace s2  }
0x95: {  	s2 =	sld [smem:$0x3FFD];
	_ =	sdelay $0x3  }
0x96: {  	_ =	strace s2  }
0x97: {  	_ =	strace $0x8FFFFFFF  }
0x98: {  	s18 =	sld [smem:$0x3FDB];
	_ =	sdelay $0x1  }
0x99: {  	s19 =	simm.s32 $_scs_section_size  }
0x9a: {  	s4 =	simm.s32 $_size__tile_overlayer_lowered;
	s5 =	simm.s32 $_tile_overlayer_lowered  }
0x9b: {  	s22 =	simm.s32 $0x1BFF;
	s21 =	sshll.u32 s5, $0x1;
	s2 =	sadd.s32 s19, s18  }
0x9c: {  	s6 =	simm.s32 $0x0;
	s20 =	sshll.u32 s4, $0x1;
	s4 =	sadd.s32 s21, s2  }
0x9d: {  	[timem:s6], [sflag:s22] =	dma.local [hbm:s4], s20  }
0x9e: {  	_ =	swait.ge [sflag:s22], s20  }
0x9f: {  	s3 =	ssub.s32 $0x0, s20;
	[sflag:s22] =	ssyncset.done $0x0  }
0xa0: {  	[sflag:s22] =	ssyncadd.s32 s3;
	_ =	sdelay $0x1  }
0xa1: {  	s23 =	simm.s32 $0x1B8B  }
0xa2: {  	_ =	swait.ge [sflag:s23], $0x1  }
0xa3: {  	[sflag:s23] =	ssyncset.done $0x0  }
0xa4: {  	s25 =	simm.s32 $0x1B8E;
	s24 =	sld [smem:$0x3FFE];
	[sflag:s23] =	ssyncadd.s32 $0xFFFFFFFF  }
0xa5: {  	s26 =	simm.s32 $execute0_lowered;
	[smem:$0x3FD2] =	sst s25  }
0xa6: {  	s4 =	sshll.u32 s26, $0x1;
	_ =	strace $0x80000046;
	[dreg:$0x1] =	wrdreg $0xFFFFFFFF  }
0xa7: {  	s28 =	simm.s32 $_size_execute0_lowered;
	s2 =	sadd.s32 s2, s4;
	[dreg:$0x0] =	wrdreg $0x0  }
0xa8: {  	s4 =	sshll.u32 s28, $0x1;
	[dreg:$0x2] =	wrdreg s2  }
0xa9: {  	[dreg:$0x3] =	wrdreg s4  }
0xaa: {  	[dreg:$0x4] =	wrdreg $0xC0  }
0xab: {  	_ =	task [dreg:s6], $0x5FFFF  }
0xac: {  	[dreg:$0x1] =	wrdreg $0xFFFFFFFF  }
0xad: {  	[dreg:$0x0] =	wrdreg $0x60  }
0xae: {  	[dreg:$0x2] =	wrdreg s24  }
0xaf: {  	[dreg:$0x3] =	wrdreg $0x9  }
0xb0: {  	_ =	task.clear_ibuf [dreg:s6], $0x4FFFF;
	_ =	strace $0x90000046  }
0xb1: {  	s29 =	simm.s32 $0x9;
	_ =	strace $0x80000048  }
0xb2: {  	_ =	swait.ge [sflag:s29], $0x1  }
0xb3: {  	[sflag:s29] =	ssyncadd.s32 $0xFFFFFFFF  }
0xb4: {  	_ =	strace $0x90000048  }
0xb5: {  	_ =	sfence  }
0xb6: {  	s30 =	sld [smem:$0x0];
	_ =	sdelay $0x2  }
0xb7: {  	s31 =	sshll.u32 s1, $0xD;
	s1 =	sshrl.u32 s1, $0x2  }
0xb8: {  	s3 =	sand.u32 $0x4000, s31;
	s1 =	sadd.s32 s1, s30  }
0xb9: {  	s0 =	sor.u32 s3, s0;
	s1 =	sshll.u32 s1, $0x11  }
0xba: {  	s0 =	sor.u32 s1, s0  }
0xbb: {  	s0 =	sadd.s32 $0x8F2B, s0  }
0xbc: {  	[sflag:s0] =	ssyncadd.remote.s32 $0x1  }
0xbd: {  	_ =	sfence.sel $0xFFFF  }
0xbe: {  	[dreg:$0x0] =	wrdreg $0xFFFFFFFF;
	(pc) =	sbr.abs _section_cstart, $3  }
0xbf: {  	[dreg:$0x1] =	wrdreg $0xFFFFFFFF  }
0xc0: {  	_ =	task.clear_ibuf [dreg:s6], $0x2FFFF;
	_ =	strace $0x9FFFFFFF  }
0xc1: {  	(tm) =	ssettm $0x7FFFFFFF  }
tec
execute0_lowered:
.L_overlay_start_1:
0x0: {  	(tag) =	ssettag $0x1  }
0x1: {  	s1 =	srdreg.scid  }
0x2: {  	s0 =	stileid.u32;
	s14 =	sand.u32 $0x1, s1  }
0x3: {  	s8 =	rddreg [dreg:$0x0];
	s3 =	sshll.u32 s0, $0xB;
	s4 =	sshll.u32 s14, $0xA  }
0x4: {  	s2 =	simm.s32 $0x0;
	s1 =	rddreg [dreg:$0x1];
	s13 =	sor.u32 s4, s3  }
0x5: {  	[smem:$0x7FF] =	sst s2;
	s15 =	sadd.s32 $0x81C00, s8;
	s3 =	sshrl.u32 s13, $0x3  }
0x6: {  	_ =	strace $0x80000047;
	s4 =	sadd.s32 s15, s3;
	s3 =	simm.s32 $0x2  }
0x7: {  	[tilespmem:s2], [sflag:$0x2] =	stream.linear.gather [hbm4b:s4+s2], $0x100, $0x38;
	[tilespmem:$0x8100] =	vst v63  }
0x8: {  	_ =	swait.ge [sflag:s3], $0x100  }
0x9: {  	s6 =	simm.s32 $0x100;
	[sflag:s3] =	ssyncset.done $0x0  }
0xa: {  	s7 =	simm.s32 $0x1;
	s5 =	sadd.s32 $0x1C00, s8;
	[sflag:s3] =	ssyncadd.s32 $0xFFFFFF00  }
0xb: {  	[tilespmem:s6], [sflag:$0x1] =	stream.indirect.gather [hbm4b:s5+s6], $0x80, s2, s6, $0xb8;
	[tilespmem:$0x8100] =	vst v63  }
0xc: {  	_ =	swait.ge [sflag:s7], $0x8000  }
0xd: {  	s16 =	sadd.s32 $0x82C00, s8;
	s29 =	sshll.u32 s13, $0x4;
	[sflag:s7] =	ssyncset.done $0x0  }
0xe: {  	s8 =	sadd.s32 s16, s29;
	[sflag:s7] =	ssyncadd.s32 $0xFFFF8000  }
0xf: {  	[hbm4b:s8+s2] =	stream.linear.scatter [tilespmem:s6], [sflag:$0x2], $0x8000, $0x38;
	[tilespmem:$0x8100] =	vst v63  }
0x10: {  	s10 =	sor.u32 $0x100, s13;
	_ =	swait.ge [sflag:s3], $0x8000  }
0x11: {  	s9 =	sshrl.u32 s10, $0x3;
	[sflag:s3] =	ssyncset.done $0x0  }
0x12: {  	s9 =	sadd.s32 s15, s9;
	[sflag:s3] =	ssyncadd.s32 $0xFFFF8000  }
0x13: {  	[tilespmem:s2], [sflag:$0x2] =	stream.linear.gather [hbm4b:s9+s2], $0x100, $0x38;
	[tilespmem:$0x8100] =	vst v63  }
0x14: {  	_ =	swait.ge [sflag:s3], $0x100  }
0x15: {  	[sflag:s3] =	ssyncset.done $0x0  }
0x16: {  	[sflag:s3] =	ssyncadd.s32 $0xFFFFFF00  }
0x17: {  	[tilespmem:s6], [sflag:$0x1] =	stream.indirect.gather [hbm4b:s5+s6], $0x80, s2, s6, $0xb8;
	[tilespmem:$0x8100] =	vst v63  }
0x18: {  	_ =	swait.ge [sflag:s7], $0x8000  }
0x19: {  	s10 =	sshll.u32 s10, $0x4;
	[sflag:s7] =	ssyncset.done $0x0  }
0x1a: {  	s10 =	sadd.s32 s16, s10;
	[sflag:s7] =	ssyncadd.s32 $0xFFFF8000  }
0x1b: {  	[hbm4b:s10+s2] =	stream.linear.scatter [tilespmem:s6], [sflag:$0x2], $0x8000, $0x38;
	[tilespmem:$0x8100] =	vst v63  }
0x1c: {  	s12 =	sor.u32 $0x200, s13;
	_ =	swait.ge [sflag:s3], $0x8000  }
0x1d: {  	s11 =	sshrl.u32 s12, $0x3;
	[sflag:s3] =	ssyncset.done $0x0  }
0x1e: {  	s11 =	sadd.s32 s15, s11;
	[sflag:s3] =	ssyncadd.s32 $0xFFFF8000  }
0x1f: {  	[tilespmem:s2], [sflag:$0x2] =	stream.linear.gather [hbm4b:s11+s2], $0x100, $0x38;
	[tilespmem:$0x8100] =	vst v63  }
0x20: {  	_ =	swait.ge [sflag:s3], $0x100  }
0x21: {  	[sflag:s3] =	ssyncset.done $0x0  }
0x22: {  	[sflag:s3] =	ssyncadd.s32 $0xFFFFFF00  }
0x23: {  	[tilespmem:s6], [sflag:$0x1] =	stream.indirect.gather [hbm4b:s5+s6], $0x80, s2, s6, $0xb8;
	[tilespmem:$0x8100] =	vst v63  }
0x24: {  	_ =	swait.ge [sflag:s7], $0x8000  }
0x25: {  	s12 =	sshll.u32 s12, $0x4;
	[sflag:s7] =	ssyncset.done $0x0  }
0x26: {  	s12 =	sadd.s32 s16, s12;
	[sflag:s7] =	ssyncadd.s32 $0xFFFF8000  }
0x27: {  	[hbm4b:s12+s2] =	stream.linear.scatter [tilespmem:s6], [sflag:$0x2], $0x8000, $0x38;
	[tilespmem:$0x8100] =	vst v63  }
0x28: {  	s17 =	sor.u32 $0x300, s13;
	_ =	swait.ge [sflag:s3], $0x8000  }
0x29: {  	s13 =	sshrl.u32 s17, $0x3;
	[sflag:s3] =	ssyncset.done $0x0  }
0x2a: {  	s14 =	ssub.s32 $0x2, s14;
	s13 =	sadd.s32 s15, s13;
	[sflag:s3] =	ssyncadd.s32 $0xFFFF8000  }
0x2b: {  	[tilespmem:s2], [sflag:$0x2] =	stream.linear.gather [hbm4b:s13+s2], $0x100, $0x38;
	[tilespmem:$0x8100] =	vst v63  }
0x2c: {  	s30 =	sshrl.u32 s14, $0x1;
	_ =	swait.ge [sflag:s3], $0x100  }
0x2d: {  	s15 =	ssub.s32 s14, s30;
	[sflag:s3] =	ssyncset.done $0x0  }
0x2e: {  	s15 =	smax.u32 s15, $0x1;
	[sflag:s3] =	ssyncadd.s32 $0xFFFFFF00  }
0x2f: {  	[tilespmem:s6], [sflag:$0x1] =	stream.indirect.gather [hbm4b:s5+s6], $0x80, s2, s6, $0xb8;
	[tilespmem:$0x8100] =	vst v63  }
0x30: {  	p0 =	sne.s32 s15, $0x1;
	_ =	swait.ge [sflag:s7], $0x8000  }
.Ltmp0:
0x31: {  	s31 =	sshll.u32 s17, $0x4;
	[sflag:s7] =	ssyncset.done $0x0;
	(pc) =	sbr.rel @!p0 .LBB2_2-.Ltmp0, $4  }
0x32: {  	s14 =	sadd.s32 s16, s31;
	[sflag:s7] =	ssyncadd.s32 $0xFFFF8000  }
0x33: {  	[hbm4b:s14+s2] =	stream.linear.scatter [tilespmem:s6], [sflag:$0x2], $0x8000, $0x38;
	[tilespmem:$0x8100] =	vst v63  }
0x34: {  	_ =	swait.ge [sflag:s3], $0x8000  }
0x35: {  	s15 =	sadd.s32 $0xFFFFFFFF, s15;
	[sflag:s3] =	ssyncset.done $0x0  }
.LBB2_1:
0x36: {  	p0 =	sne.s32 s15, $0x1;
	s15 =	sadd.s32 $0xFFFFFFFF, s15;
	[sflag:s3] =	ssyncadd.s32 $0xFFFF8000  }
0x37: {  	[tilespmem:s2], [sflag:$0x2] =	stream.linear.gather [hbm4b:s4+s2], $0x100, $0x38;
	[tilespmem:$0x8100] =	vst v63  }
0x38: {  	_ =	swait.ge [sflag:s3], $0x100  }
0x39: {  	[sflag:s3] =	ssyncset.done $0x0  }
0x3a: {  	[sflag:s3] =	ssyncadd.s32 $0xFFFFFF00  }
0x3b: {  	[tilespmem:s6], [sflag:$0x1] =	stream.indirect.gather [hbm4b:s5+s6], $0x80, s2, s6, $0xb8;
	[tilespmem:$0x8100] =	vst v63  }
0x3c: {  	_ =	swait.ge [sflag:s7], $0x8000  }
0x3d: {  	[sflag:s7] =	ssyncset.done $0x0  }
0x3e: {  	[sflag:s7] =	ssyncadd.s32 $0xFFFF8000  }
0x3f: {  	[hbm4b:s8+s2] =	stream.linear.scatter [tilespmem:s6], [sflag:$0x2], $0x8000, $0x38;
	[tilespmem:$0x8100] =	vst v63  }
0x40: {  	_ =	swait.ge [sflag:s3], $0x8000  }
0x41: {  	[sflag:s3] =	ssyncset.done $0x0  }
0x42: {  	[sflag:s3] =	ssyncadd.s32 $0xFFFF8000  }
0x43: {  	[tilespmem:s2], [sflag:$0x2] =	stream.linear.gather [hbm4b:s9+s2], $0x100, $0x38;
	[tilespmem:$0x8100] =	vst v63  }
0x44: {  	_ =	swait.ge [sflag:s3], $0x100  }
0x45: {  	[sflag:s3] =	ssyncset.done $0x0  }
0x46: {  	[sflag:s3] =	ssyncadd.s32 $0xFFFFFF00  }
0x47: {  	[tilespmem:s6], [sflag:$0x1] =	stream.indirect.gather [hbm4b:s5+s6], $0x80, s2, s6, $0xb8;
	[tilespmem:$0x8100] =	vst v63  }
0x48: {  	_ =	swait.ge [sflag:s7], $0x8000  }
0x49: {  	[sflag:s7] =	ssyncset.done $0x0  }
0x4a: {  	[sflag:s7] =	ssyncadd.s32 $0xFFFF8000  }
0x4b: {  	[hbm4b:s10+s2] =	stream.linear.scatter [tilespmem:s6], [sflag:$0x2], $0x8000, $0x38;
	[tilespmem:$0x8100] =	vst v63  }
0x4c: {  	_ =	swait.ge [sflag:s3], $0x8000  }
0x4d: {  	[sflag:s3] =	ssyncset.done $0x0  }
0x4e: {  	[sflag:s3] =	ssyncadd.s32 $0xFFFF8000  }
0x4f: {  	[tilespmem:s2], [sflag:$0x2] =	stream.linear.gather [hbm4b:s11+s2], $0x100, $0x38;
	[tilespmem:$0x8100] =	vst v63  }
0x50: {  	_ =	swait.ge [sflag:s3], $0x100  }
0x51: {  	[sflag:s3] =	ssyncset.done $0x0  }
0x52: {  	[sflag:s3] =	ssyncadd.s32 $0xFFFFFF00  }
0x53: {  	[tilespmem:s6], [sflag:$0x1] =	stream.indirect.gather [hbm4b:s5+s6], $0x80, s2, s6, $0xb8;
	[tilespmem:$0x8100] =	vst v63  }
0x54: {  	_ =	swait.ge [sflag:s7], $0x8000  }
0x55: {  	[sflag:s7] =	ssyncset.done $0x0  }
0x56: {  	[sflag:s7] =	ssyncadd.s32 $0xFFFF8000  }
0x57: {  	[hbm4b:s12+s2] =	stream.linear.scatter [tilespmem:s6], [sflag:$0x2], $0x8000, $0x38;
	[tilespmem:$0x8100] =	vst v63  }
0x58: {  	_ =	swait.ge [sflag:s3], $0x8000  }
0x59: {  	[sflag:s3] =	ssyncset.done $0x0  }
0x5a: {  	[sflag:s3] =	ssyncadd.s32 $0xFFFF8000  }
0x5b: {  	[tilespmem:s2], [sflag:$0x2] =	stream.linear.gather [hbm4b:s13+s2], $0x100, $0x38;
	[tilespmem:$0x8100] =	vst v63  }
0x5c: {  	_ =	swait.ge [sflag:s3], $0x100  }
0x5d: {  	[sflag:s3] =	ssyncset.done $0x0  }
0x5e: {  	[sflag:s3] =	ssyncadd.s32 $0xFFFFFF00  }
0x5f: {  	[tilespmem:s6], [sflag:$0x1] =	stream.indirect.gather [hbm4b:s5+s6], $0x80, s2, s6, $0xb8;
	[tilespmem:$0x8100] =	vst v63  }
0x60: {  	_ =	swait.ge [sflag:s7], $0x8000  }
.Ltmp1:
0x61: {  	[sflag:s7] =	ssyncset.done $0x0;
	(pc) =	sbr.rel @p0 .LBB2_1-.Ltmp1, $4  }
0x62: {  	[sflag:s7] =	ssyncadd.s32 $0xFFFF8000  }
0x63: {  	[hbm4b:s14+s2] =	stream.linear.scatter [tilespmem:s6], [sflag:$0x2], $0x8000, $0x38;
	[tilespmem:$0x8100] =	vst v63  }
0x64: {  	_ =	swait.ge [sflag:s3], $0x8000  }
0x65: {  	[sflag:s3] =	ssyncset.done $0x0  }
.LBB2_2:
0x66: {  	[sflag:s3] =	ssyncadd.s32 $0xFFFF8000  }
0x67: {  	_ =	sfence.sel $0x180000  }
0x68: {  	[bflag:$0x0] =	sbarrier.arrive $0xFFFF  }
0x69: {  	p0 =	sne.s32 s0, $0x0;
	_ =	strace $0x90000047  }
0x6a: {  	s0 =	sadd.s32 @!p0 $0x100000, s1;
	[bflag:$0x2] =	sbarrier.arrive $0xFFFF  }
0x6b: {  	[sflag:s0] =	ssyncadd.tile.s32 @!p0 $0x1;
	_ =	shalt  }
.Lfunc_end2:
_tile_overlayer_lowered:
.L_overlay_start_2:
0x6c: {  	(tag) =	ssettag $0x2  }
0x6d: {  	s0 =	rddreg [dreg:$0x0];
	s2 =	stileid.u32  }
0x6e: {  	s1 =	rddreg [dreg:$0x1];
	p0 =	sne.s32 s2, $0x0  }
0x6f: {  	s3 =	rddreg [dreg:$0x2];
	[bflag:$0x3] =	sbarrier.arrive $0xFFFF;
	s2 =	simm.s32 @!p0 $0x1C02  }
0x70: {  	[timem:s3], [sflag:s2] =	dma.local @!p0 [hbm:s0], s1  }
0x71: {  	s0 =	simm.s32 @!p0 $0x2  }
0x72: {  	_ =	swait.ge @!p0 [sflag:s0], s1  }
0x73: {  	s1 =	ssub.s32 @!p0 $0x0, s1;
	[sflag:s0] =	ssyncset.done @!p0 $0x0  }
0x74: {  	[sflag:s0] =	ssyncadd.s32 @!p0 s1  }
0x75: {  	[bflag:$0x3] =	sbarrier.arrive $0xFFFF  }
0x76: {  	_ =	shalt  }

</sc_bundles>
